<compile_context>
chip_gen: v7x
topology: tpu7x:2x2x1
jax: 0.10.2.dev20260603
libtpu: 0.0.44.dev20260713+nightly
codegen_flags: <defaults>
</compile_context>

<pallas_src>
import functools

import jax
import jax.numpy as jnp
from jax import lax
from jax.experimental import pallas as pl
from jax.experimental.pallas import tpu as pltpu
from jax.experimental.pallas import tpu_sc as plsc

HOURS = 168
BATCH = 16384

_info = plsc.get_sparse_core_info()
_NC, _NS, _L = _info.num_cores, _info.num_subcores, _info.num_lanes
_NW = _NC * _NS
_BPW = BATCH // _NW
_STEPS = _BPW // _L

_mesh = plsc.VectorSubcoreMesh(core_axis_name="c", subcore_axis_name="s")


@functools.partial(
    pl.kernel,
    mesh=_mesh,
    compiler_params=pltpu.CompilerParams(
        needs_layout_passes=False,
        disable_bounds_checks=True,
        disable_semaphore_checks=True,
        skip_device_barrier=True,
    ),
    out_type=jax.ShapeDtypeStruct((BATCH,), jnp.float32),
    scratch_types=[
        pltpu.VMEM((HOURS,), jnp.float32),
        pltpu.VMEM((HOURS,), jnp.float32),
        pltpu.VMEM((HOURS,), jnp.float32),
        pltpu.VMEM((_BPW,), jnp.int32),
        pltpu.VMEM((_BPW,), jnp.float32),
        pltpu.VMEM((_BPW,), jnp.float32),
        pltpu.VMEM((_BPW,), jnp.float32),
        pltpu.SemaphoreType.DMA,
    ],
)
def _sc_kernel(hour_hbm, x1_hbm, x2_hbm, b0_hbm, b1_hbm, b2_hbm, out_hbm,
               b0_v, b1_v, b2_v, idx_v, x1_v, x2_v, out_v, sem):
    wid = lax.axis_index("s") * _NC + lax.axis_index("c")
    base = wid * _BPW
    cps = [
        pltpu.async_copy(b0_hbm, b0_v, sem),
        pltpu.async_copy(b1_hbm, b1_v, sem),
        pltpu.async_copy(b2_hbm, b2_v, sem),
        pltpu.async_copy(hour_hbm.at[pl.ds(base, _BPW)], idx_v, sem),
        pltpu.async_copy(x1_hbm.at[pl.ds(base, _BPW)], x1_v, sem),
        pltpu.async_copy(x2_hbm.at[pl.ds(base, _BPW)], x2_v, sem),
    ]
    for cp in cps:
        cp.wait()
    def body(i, _):
        sl = pl.ds(i * _L, _L)
        idx = idx_v[sl]
        g0 = plsc.load_gather(b0_v, [idx])
        g1 = plsc.load_gather(b1_v, [idx])
        g2 = plsc.load_gather(b2_v, [idx])
        out_v[sl] = g0 + g1 * x1_v[sl] + g2 * x2_v[sl]
        return 0

    lax.fori_loop(0, _STEPS, body, 0, unroll=4)
    pltpu.sync_copy(out_v, out_hbm.at[pl.ds(base, _BPW)])


def kernel(hour_idx, x1, x2, b0, b1, b2):
    return _sc_kernel(hour_idx.astype(jnp.int32), x1, x2, b0, b1, b2)

# --- scband reference (transcript-rebuilt; emitter-appended) ---
"""Pipeline reference for scband-generator-model-15410342658068 (READ-ONLY COPY).

The authoritative reference and input builder live on the scoring server;
editing this copy changes nothing except your own understanding.
"""

import jax, jax.numpy as jnp
import numpy as np

HOURS_PER_WEEK = 168
BATCH = 16384

def setup_inputs(seed: int = 0) -> dict:
    key = jax.random.key(seed)
    k_idx, k_x1, k_x2, k_b0, k_b1, k_b2 = jax.random.split(key, 6)
    hour_idx = jax.random.randint(k_idx, (BATCH,), 0, HOURS_PER_WEEK, dtype=jnp.int64 if jax.config.jax_enable_x64 else jnp.int32)
    x1 = jax.random.normal(k_x1, (BATCH,), dtype=jnp.float32)
    x2 = jax.random.normal(k_x2, (BATCH,), dtype=jnp.float32)
    b0 = jax.random.normal(k_b0, (HOURS_PER_WEEK,), dtype=jnp.float32)
    b1 = jax.random.normal(k_b1, (HOURS_PER_WEEK,), dtype=jnp.float32)
    b2 = jax.random.normal(k_b2, (HOURS_PER_WEEK,), dtype=jnp.float32)
    return {"hour_idx": hour_idx, "x1": x1, "x2": x2, "b0": b0, "b1": b1, "b2": b2}

def reference(hour_idx, x1, x2, b0, b1, b2):
    # Faithful translation of: b0[hour_idx] + b1[hour_idx] * x1 + b2[hour_idx] * x2
    g0 = jnp.take(b0, hour_idx, axis=0)
    g1 = jnp.take(b1, hour_idx, axis=0)
    g2 = jnp.take(b2, hour_idx, axis=0)
    return g0 + g1 * x1 + g2 * x2

if __name__ == "__main__":
    import jax
    _d = setup_inputs()
    print(jax.jit(kernel)(*tuple(_d.values())))

</pallas_src>

<mosaic_0001>
#map = affine_map<(d0, d1) -> (0)>
module attributes {stable_mosaic.version = 14 : i64} {
  func.func @_sc_kernel(%arg0: i32, %arg1: i32, %arg2: memref<16384xi32, #tpu.memory_space<hbm>>, %arg3: memref<16384xf32, #tpu.memory_space<hbm>>, %arg4: memref<16384xf32, #tpu.memory_space<hbm>>, %arg5: memref<168xf32, #tpu.memory_space<hbm>>, %arg6: memref<168xf32, #tpu.memory_space<hbm>>, %arg7: memref<168xf32, #tpu.memory_space<hbm>>, %arg8: memref<16384xf32, #tpu.memory_space<hbm>>, %arg9: memref<168xf32, #tpu.memory_space<vmem>>, %arg10: memref<168xf32, #tpu.memory_space<vmem>>, %arg11: memref<168xf32, #tpu.memory_space<vmem>>, %arg12: memref<512xi32, #tpu.memory_space<vmem>>, %arg13: memref<512xf32, #tpu.memory_space<vmem>>, %arg14: memref<512xf32, #tpu.memory_space<vmem>>, %arg15: memref<512xf32, #tpu.memory_space<vmem>>, %arg16: memref<!tpu.dma_semaphore, #tpu.memory_space<semaphore_mem>>) attributes {dimension_semantics = [#tpu.dimension_semantics<core_parallel>, #tpu.dimension_semantics<subcore_parallel>], iteration_bounds = array<i64: 2, 16>, scalar_prefetch = 0 : i64, scratch_operands = 8 : i64, tpu.core_type = #tpu.core_type<sc_vector_subcore>, window_params = [{transform_indices = #map}, {transform_indices = #map}, {transform_indices = #map}, {transform_indices = #map}, {transform_indices = #map}, {transform_indices = #map}, {transform_indices = #map}]} {
    %mul3A = arith.constant 2 : i32
    %mul3A_0 = arith.muli %arg1, %mul3A : i32
    %add3A = arith.addi %mul3A_0, %arg0 : i32
    %mul3A_1 = arith.constant 512 : i32
    %mul3A_2 = arith.muli %add3A, %mul3A_1 : i32
    tpu.enqueue_dma source(%arg5 : memref<168xf32, #tpu.memory_space<hbm>>) target(%arg9 : memref<168xf32, #tpu.memory_space<vmem>>) target_semaphore(%arg16 : memref<!tpu.dma_semaphore, #tpu.memory_space<semaphore_mem>>)
    tpu.enqueue_dma source(%arg6 : memref<168xf32, #tpu.memory_space<hbm>>) target(%arg10 : memref<168xf32, #tpu.memory_space<vmem>>) target_semaphore(%arg16 : memref<!tpu.dma_semaphore, #tpu.memory_space<semaphore_mem>>)
    tpu.enqueue_dma source(%arg7 : memref<168xf32, #tpu.memory_space<hbm>>) target(%arg11 : memref<168xf32, #tpu.memory_space<vmem>>) target_semaphore(%arg16 : memref<!tpu.dma_semaphore, #tpu.memory_space<semaphore_mem>>)
    %dma_start3A = tpu.memref_slice %arg2[%mul3A_2] : memref<16384xi32, #tpu.memory_space<hbm>> -> memref<512xi32, #tpu.memory_space<hbm>>
    %dma_start3A_3 = tpu.memref_slice %arg2[%mul3A_2] : memref<16384xi32, #tpu.memory_space<hbm>> -> memref<512xi32, #tpu.memory_space<hbm>>
    tpu.enqueue_dma source(%dma_start3A_3 : memref<512xi32, #tpu.memory_space<hbm>>) target(%arg12 : memref<512xi32, #tpu.memory_space<vmem>>) target_semaphore(%arg16 : memref<!tpu.dma_semaphore, #tpu.memory_space<semaphore_mem>>)
    %dma_start3A_4 = tpu.memref_slice %arg3[%mul3A_2] : memref<16384xf32, #tpu.memory_space<hbm>> -> memref<512xf32, #tpu.memory_space<hbm>>
    %dma_start3A_5 = tpu.memref_slice %arg3[%mul3A_2] : memref<16384xf32, #tpu.memory_space<hbm>> -> memref<512xf32, #tpu.memory_space<hbm>>
    tpu.enqueue_dma source(%dma_start3A_5 : memref<512xf32, #tpu.memory_space<hbm>>) target(%arg13 : memref<512xf32, #tpu.memory_space<vmem>>) target_semaphore(%arg16 : memref<!tpu.dma_semaphore, #tpu.memory_space<semaphore_mem>>)
    %dma_start3A_6 = tpu.memref_slice %arg4[%mul3A_2] : memref<16384xf32, #tpu.memory_space<hbm>> -> memref<512xf32, #tpu.memory_space<hbm>>
    %dma_start3A_7 = tpu.memref_slice %arg4[%mul3A_2] : memref<16384xf32, #tpu.memory_space<hbm>> -> memref<512xf32, #tpu.memory_space<hbm>>
    tpu.enqueue_dma source(%dma_start3A_7 : memref<512xf32, #tpu.memory_space<hbm>>) target(%arg14 : memref<512xf32, #tpu.memory_space<vmem>>) target_semaphore(%arg16 : memref<!tpu.dma_semaphore, #tpu.memory_space<semaphore_mem>>)
    tpu.wait_dma2 semaphore(%arg16 : memref<!tpu.dma_semaphore, #tpu.memory_space<semaphore_mem>>) src(%arg5 : memref<168xf32, #tpu.memory_space<hbm>>) dst(%arg9 : memref<168xf32, #tpu.memory_space<vmem>>)
    tpu.wait_dma2 semaphore(%arg16 : memref<!tpu.dma_semaphore, #tpu.memory_space<semaphore_mem>>) src(%arg6 : memref<168xf32, #tpu.memory_space<hbm>>) dst(%arg10 : memref<168xf32, #tpu.memory_space<vmem>>)
    tpu.wait_dma2 semaphore(%arg16 : memref<!tpu.dma_semaphore, #tpu.memory_space<semaphore_mem>>) src(%arg7 : memref<168xf32, #tpu.memory_space<hbm>>) dst(%arg11 : memref<168xf32, #tpu.memory_space<vmem>>)
    %dma_wait3A = tpu.memref_slice %arg2[%mul3A_2] : memref<16384xi32, #tpu.memory_space<hbm>> -> memref<512xi32, #tpu.memory_space<hbm>>
    %dma_wait3A_8 = tpu.memref_slice %arg2[%mul3A_2] : memref<16384xi32, #tpu.memory_space<hbm>> -> memref<512xi32, #tpu.memory_space<hbm>>
    tpu.wait_dma2 semaphore(%arg16 : memref<!tpu.dma_semaphore, #tpu.memory_space<semaphore_mem>>) src(%dma_wait3A_8 : memref<512xi32, #tpu.memory_space<hbm>>) dst(%arg12 : memref<512xi32, #tpu.memory_space<vmem>>)
    %dma_wait3A_9 = tpu.memref_slice %arg3[%mul3A_2] : memref<16384xf32, #tpu.memory_space<hbm>> -> memref<512xf32, #tpu.memory_space<hbm>>
    %dma_wait3A_10 = tpu.memref_slice %arg3[%mul3A_2] : memref<16384xf32, #tpu.memory_space<hbm>> -> memref<512xf32, #tpu.memory_space<hbm>>
    tpu.wait_dma2 semaphore(%arg16 : memref<!tpu.dma_semaphore, #tpu.memory_space<semaphore_mem>>) src(%dma_wait3A_10 : memref<512xf32, #tpu.memory_space<hbm>>) dst(%arg13 : memref<512xf32, #tpu.memory_space<vmem>>)
    %dma_wait3A_11 = tpu.memref_slice %arg4[%mul3A_2] : memref<16384xf32, #tpu.memory_space<hbm>> -> memref<512xf32, #tpu.memory_space<hbm>>
    %dma_wait3A_12 = tpu.memref_slice %arg4[%mul3A_2] : memref<16384xf32, #tpu.memory_space<hbm>> -> memref<512xf32, #tpu.memory_space<hbm>>
    tpu.wait_dma2 semaphore(%arg16 : memref<!tpu.dma_semaphore, #tpu.memory_space<semaphore_mem>>) src(%dma_wait3A_12 : memref<512xf32, #tpu.memory_space<hbm>>) dst(%arg14 : memref<512xf32, #tpu.memory_space<vmem>>)
    %scan3A = arith.constant 0 : i32
    %scan3A_13 = arith.constant 0 : i32
    %scan3A_14 = arith.constant 32 : i32
    %scan3A_15 = arith.addi %scan3A_13, %scan3A_14 : i32
    %scan3A_16 = arith.constant 4 : i32
    %scan3A_17 = scf.for %scan3A_19 = %scan3A_13 to %scan3A_15 step %scan3A_16 iter_args(%scan3A_20 = %scan3A) -> (i32)  : i32 {
      %mul3A_21 = arith.constant 16 : i32
      %mul3A_22 = arith.muli %scan3A_19, %mul3A_21 : i32
      %get3A = arith.index_cast %mul3A_22 : i32 to index
      %get3A_23 = tpu.vector_load %arg12[%get3A] {strides = array<i32>} : memref<512xi32, #tpu.memory_space<vmem>>, vector<16xi32>,
      %gather3A = tpu.vector_load_idx %arg9[%get3A_23] : memref<168xf32, #tpu.memory_space<vmem>>[vector<16xi32>], vector<16xf32>,
      %gather3A_24 = tpu.vector_load_idx %arg10[%get3A_23] : memref<168xf32, #tpu.memory_space<vmem>>[vector<16xi32>], vector<16xf32>,
      %gather3A_25 = tpu.vector_load_idx %arg11[%get3A_23] : memref<168xf32, #tpu.memory_space<vmem>>[vector<16xi32>], vector<16xf32>,
      %get3A_26 = arith.index_cast %mul3A_22 : i32 to index
      %get3A_27 = tpu.vector_load %arg13[%get3A_26] {strides = array<i32>} : memref<512xf32, #tpu.memory_space<vmem>>, vector<16xf32>,
      %mul3A_28 = arith.mulf %gather3A_24, %get3A_27 : vector<16xf32>
      %add3A_29 = arith.addf %gather3A, %mul3A_28 : vector<16xf32>
      %get3A_30 = arith.index_cast %mul3A_22 : i32 to index
      %get3A_31 = tpu.vector_load %arg14[%get3A_30] {strides = array<i32>} : memref<512xf32, #tpu.memory_space<vmem>>, vector<16xf32>,
      %mul3A_32 = arith.mulf %gather3A_25, %get3A_31 : vector<16xf32>
      %add3A_33 = arith.addf %add3A_29, %mul3A_32 : vector<16xf32>
      %swap3A = arith.index_cast %mul3A_22 : i32 to index
      %swap3A_34 = tpu.vector_load %arg15[%swap3A] {strides = array<i32>} : memref<512xf32, #tpu.memory_space<vmem>>, vector<16xf32>,
      tpu.vector_store %arg15[%swap3A], %add3A_33 {strides = array<i32>} : memref<512xf32, #tpu.memory_space<vmem>>, vector<16xf32>,
      %scan3A_35 = arith.constant 0 : i32
      %scan3A_36 = arith.constant 1 : i32
      %scan3A_37 = arith.addi %scan3A_19, %scan3A_36 : i32
      %mul3A_38 = arith.constant 16 : i32
      %mul3A_39 = arith.muli %scan3A_37, %mul3A_38 : i32
      %get3A_40 = arith.index_cast %mul3A_39 : i32 to index
      %get3A_41 = tpu.vector_load %arg12[%get3A_40] {strides = array<i32>} : memref<512xi32, #tpu.memory_space<vmem>>, vector<16xi32>,
      %gather3A_42 = tpu.vector_load_idx %arg9[%get3A_41] : memref<168xf32, #tpu.memory_space<vmem>>[vector<16xi32>], vector<16xf32>,
      %gather3A_43 = tpu.vector_load_idx %arg10[%get3A_41] : memref<168xf32, #tpu.memory_space<vmem>>[vector<16xi32>], vector<16xf32>,
      %gather3A_44 = tpu.vector_load_idx %arg11[%get3A_41] : memref<168xf32, #tpu.memory_space<vmem>>[vector<16xi32>], vector<16xf32>,
      %get3A_45 = arith.index_cast %mul3A_39 : i32 to index
      %get3A_46 = tpu.vector_load %arg13[%get3A_45] {strides = array<i32>} : memref<512xf32, #tpu.memory_space<vmem>>, vector<16xf32>,
      %mul3A_47 = arith.mulf %gather3A_43, %get3A_46 : vector<16xf32>
      %add3A_48 = arith.addf %gather3A_42, %mul3A_47 : vector<16xf32>
      %get3A_49 = arith.index_cast %mul3A_39 : i32 to index
      %get3A_50 = tpu.vector_load %arg14[%get3A_49] {strides = array<i32>} : memref<512xf32, #tpu.memory_space<vmem>>, vector<16xf32>,
      %mul3A_51 = arith.mulf %gather3A_44, %get3A_50 : vector<16xf32>
      %add3A_52 = arith.addf %add3A_48, %mul3A_51 : vector<16xf32>
      %swap3A_53 = arith.index_cast %mul3A_39 : i32 to index
      %swap3A_54 = tpu.vector_load %arg15[%swap3A_53] {strides = array<i32>} : memref<512xf32, #tpu.memory_space<vmem>>, vector<16xf32>,
      tpu.vector_store %arg15[%swap3A_53], %add3A_52 {strides = array<i32>} : memref<512xf32, #tpu.memory_space<vmem>>, vector<16xf32>,
      %scan3A_55 = arith.constant 0 : i32
      %scan3A_56 = arith.constant 2 : i32
      %scan3A_57 = arith.addi %scan3A_19, %scan3A_56 : i32
      %mul3A_58 = arith.constant 16 : i32
      %mul3A_59 = arith.muli %scan3A_57, %mul3A_58 : i32
      %get3A_60 = arith.index_cast %mul3A_59 : i32 to index
      %get3A_61 = tpu.vector_load %arg12[%get3A_60] {strides = array<i32>} : memref<512xi32, #tpu.memory_space<vmem>>, vector<16xi32>,
      %gather3A_62 = tpu.vector_load_idx %arg9[%get3A_61] : memref<168xf32, #tpu.memory_space<vmem>>[vector<16xi32>], vector<16xf32>,
      %gather3A_63 = tpu.vector_load_idx %arg10[%get3A_61] : memref<168xf32, #tpu.memory_space<vmem>>[vector<16xi32>], vector<16xf32>,
      %gather3A_64 = tpu.vector_load_idx %arg11[%get3A_61] : memref<168xf32, #tpu.memory_space<vmem>>[vector<16xi32>], vector<16xf32>,
      %get3A_65 = arith.index_cast %mul3A_59 : i32 to index
      %get3A_66 = tpu.vector_load %arg13[%get3A_65] {strides = array<i32>} : memref<512xf32, #tpu.memory_space<vmem>>, vector<16xf32>,
      %mul3A_67 = arith.mulf %gather3A_63, %get3A_66 : vector<16xf32>
      %add3A_68 = arith.addf %gather3A_62, %mul3A_67 : vector<16xf32>
      %get3A_69 = arith.index_cast %mul3A_59 : i32 to index
      %get3A_70 = tpu.vector_load %arg14[%get3A_69] {strides = array<i32>} : memref<512xf32, #tpu.memory_space<vmem>>, vector<16xf32>,
      %mul3A_71 = arith.mulf %gather3A_64, %get3A_70 : vector<16xf32>
      %add3A_72 = arith.addf %add3A_68, %mul3A_71 : vector<16xf32>
      %swap3A_73 = arith.index_cast %mul3A_59 : i32 to index
      %swap3A_74 = tpu.vector_load %arg15[%swap3A_73] {strides = array<i32>} : memref<512xf32, #tpu.memory_space<vmem>>, vector<16xf32>,
      tpu.vector_store %arg15[%swap3A_73], %add3A_72 {strides = array<i32>} : memref<512xf32, #tpu.memory_space<vmem>>, vector<16xf32>,
      %scan3A_75 = arith.constant 0 : i32
      %scan3A_76 = arith.constant 3 : i32
      %scan3A_77 = arith.addi %scan3A_19, %scan3A_76 : i32
      %mul3A_78 = arith.constant 16 : i32
      %mul3A_79 = arith.muli %scan3A_77, %mul3A_78 : i32
      %get3A_80 = arith.index_cast %mul3A_79 : i32 to index
      %get3A_81 = tpu.vector_load %arg12[%get3A_80] {strides = array<i32>} : memref<512xi32, #tpu.memory_space<vmem>>, vector<16xi32>,
      %gather3A_82 = tpu.vector_load_idx %arg9[%get3A_81] : memref<168xf32, #tpu.memory_space<vmem>>[vector<16xi32>], vector<16xf32>,
      %gather3A_83 = tpu.vector_load_idx %arg10[%get3A_81] : memref<168xf32, #tpu.memory_space<vmem>>[vector<16xi32>], vector<16xf32>,
      %gather3A_84 = tpu.vector_load_idx %arg11[%get3A_81] : memref<168xf32, #tpu.memory_space<vmem>>[vector<16xi32>], vector<16xf32>,
      %get3A_85 = arith.index_cast %mul3A_79 : i32 to index
      %get3A_86 = tpu.vector_load %arg13[%get3A_85] {strides = array<i32>} : memref<512xf32, #tpu.memory_space<vmem>>, vector<16xf32>,
      %mul3A_87 = arith.mulf %gather3A_83, %get3A_86 : vector<16xf32>
      %add3A_88 = arith.addf %gather3A_82, %mul3A_87 : vector<16xf32>
      %get3A_89 = arith.index_cast %mul3A_79 : i32 to index
      %get3A_90 = tpu.vector_load %arg14[%get3A_89] {strides = array<i32>} : memref<512xf32, #tpu.memory_space<vmem>>, vector<16xf32>,
      %mul3A_91 = arith.mulf %gather3A_84, %get3A_90 : vector<16xf32>
      %add3A_92 = arith.addf %add3A_88, %mul3A_91 : vector<16xf32>
      %swap3A_93 = arith.index_cast %mul3A_79 : i32 to index
      %swap3A_94 = tpu.vector_load %arg15[%swap3A_93] {strides = array<i32>} : memref<512xf32, #tpu.memory_space<vmem>>, vector<16xf32>,
      tpu.vector_store %arg15[%swap3A_93], %add3A_92 {strides = array<i32>} : memref<512xf32, #tpu.memory_space<vmem>>, vector<16xf32>,
      %scan3A_95 = arith.constant 0 : i32
      scf.yield %scan3A_95 : i32
    }
    %scan3A_18 = arith.constant 32 : i32
    "tpu.region"() ({
      %run_scoped3A = tpu.sem_alloc : memref<!tpu.dma_semaphore, #tpu.memory_space<semaphore_mem>>
      %dma_start3A_19 = tpu.memref_slice %arg8[%mul3A_2] : memref<16384xf32, #tpu.memory_space<hbm>> -> memref<512xf32, #tpu.memory_space<hbm>>
      %dma_start3A_20 = tpu.memref_slice %arg8[%mul3A_2] : memref<16384xf32, #tpu.memory_space<hbm>> -> memref<512xf32, #tpu.memory_space<hbm>>
      tpu.enqueue_dma source(%arg15 : memref<512xf32, #tpu.memory_space<vmem>>) target(%dma_start3A_20 : memref<512xf32, #tpu.memory_space<hbm>>) target_semaphore(%run_scoped3A : memref<!tpu.dma_semaphore, #tpu.memory_space<semaphore_mem>>)
      %dma_wait3A_21 = tpu.memref_slice %arg8[%mul3A_2] : memref<16384xf32, #tpu.memory_space<hbm>> -> memref<512xf32, #tpu.memory_space<hbm>>
      %dma_wait3A_22 = tpu.memref_slice %arg8[%mul3A_2] : memref<16384xf32, #tpu.memory_space<hbm>> -> memref<512xf32, #tpu.memory_space<hbm>>
      tpu.wait_dma2 semaphore(%run_scoped3A : memref<!tpu.dma_semaphore, #tpu.memory_space<semaphore_mem>>) src(%arg15 : memref<512xf32, #tpu.memory_space<vmem>>) dst(%dma_wait3A_22 : memref<512xf32, #tpu.memory_space<hbm>>)
      tpu.yield
    }) : () -> ()
    return
  }
}

</mosaic_0001>

<sc_bundles>
// kernel: kernel.3.cloned.1.call-start
scs
__scs_entry_jumppad:
0x0: {  	(pc) =	sbr.rel $0x88, $3  }
0x1: {  	(tag) =	ssettag $0x0;
	lr =	simm.s32 $0x1  }
0x2: {  	[smem:$0x3F9B] =	sst lr;
	_ =	strace $0xD0000000  }
0x3: {  	_ = 	snop  }
0x4: {  	_ = 	snop  }
0x5: {  	_ = 	snop  }
0x6: {  	_ = 	snop  }
0x7: {  	_ = 	snop  }
__scs_overlays_trampoline_lowered:
0x8: {  	[smem:$0x3FAA] =	sst s0  }
0x9: {  	[smem:$0x3FAB] =	sst s1  }
0xa: {  	[smem:$0x3FAC] =	sst s2  }
0xb: {  	[smem:$0x3FAD] =	sst s3  }
0xc: {  	[smem:$0x3FAE] =	sst s4  }
0xd: {  	[smem:$0x3FAF] =	sst s5  }
0xe: {  	[smem:$0x3FB0] =	sst s6  }
0xf: {  	[smem:$0x3FB1] =	sst s7  }
0x10: {  	[smem:$0x3FB2] =	sst s8  }
0x11: {  	[smem:$0x3FB3] =	sst s9;
	s0 =	simm.s32 @!p0 $0x0  }
0x12: {  	s1 =	sld [smem:$0x3F99];
	s0 =	simm.s32 @p0 $0x1  }
0x13: {  	[smem:$0x3FB4] =	sst s0;
	s0 =	simm.s32 @!p1 $0x0  }
0x14: {  	s2 =	sld [smem:$0x3F98];
	s0 =	simm.s32 @p1 $0x1  }
0x15: {  	[smem:$0x3FB5] =	sst s0;
	s0 =	simm.s32 @!p2 $0x0  }
0x16: {  	s3 =	sld [smem:$0x3FDB];
	s0 =	simm.s32 @p2 $0x1  }
0x17: {  	s4 =	simm.s32 $0x1BF5;
	[smem:$0x3FB7] =	sst s0  }
0x18: {  	s0 =	sld [smem:$0x3F9A];
	_ =	swait.ge [sflag:s4], $0x0  }
0x19: {  	s7 =	sld [smem:$0x3F9B]  }
0x1a: {  	s8 =	sadd.s32 $0xFFFFE003, lr  }
0x1b: {  	s9 =	sadd.s32 $0xFFFFFEF7, lr;
	s5 =	simm.s32 $0xFFFFFFFF;
	p2 =	slt.u32 s8, $0xFFFFF086  }
0x1c: {  	p1 =	slt.u32 s9, $0xF7A;
	s5 =	simm.s32 @!p2 $0x0  }
0x1d: {  	s5 =	simm.s32 @p1 $0x1;
	p0 =	seq.s32 s7, s2  }
0x1e: {  	s7 =	smul.u32 @!p0 $0xF7A, s2;
	p2 =	seq.s32 @!p0 s5, $0x0  }
0x1f: {  	s9 =	smul.u32 $0xF7A, s1;
	s8 =	simm.s32 @!p0 $0x1BF5;
	p2 =	por !p2, p0  }
0x20: {  	[sflag:s8] =	ssyncset.s32 @!p0 $0xFFFFF086;
	s6 =	sadd.s32 @!p0 s3, s7;
	s7 =	simm.s32 @!p0 $0x108  }
0x21: {  	s3 =	sadd.s32 s3, s9;
	s6 =	sadd.s32 @!p0 $0x88, s6;
	s7 =	simm.s32 @p2 $0x1082  }
0x22: {  	[simem:s7], [sflag:s8] =	dma.local @!p0 [hbm:s6], $0xF7A  }
0x23: {  	s9 =	sor.u32 $0xD0000000, s2;
	s6 =	simm.s32 $0x108;
	_ =	swait.ge @!p0 [sflag:s8], $0x0  }
0x24: {  	s3 =	sadd.s32 $0x88, s3;
	s6 =	simm.s32 @!p1 $0x1082;
	[sflag:s4] =	ssyncset.s32 $0xFFFFF086  }
0x25: {  	[simem:s6], [sflag:s4] =	dma.local [hbm:s3], $0xF7A  }
0x26: {  	[smem:$0x3F9B] =	sst s1;
	(tag) =	ssettag s2;
	_ =	strace s9  }
0x27: {  	s1 =	sld [smem:$0x3FAB]  }
0x28: {  	s2 =	sld [smem:$0x3FAC]  }
0x29: {  	s4 =	sld [smem:$0x3FAE]  }
0x2a: {  	p0 =	seq.s32 s5, $0x0;
	s5 =	sld [smem:$0x3FAF]  }
0x2b: {  	s6 =	sld [smem:$0x3FB0]  }
0x2c: {  	s7 =	sld [smem:$0x3FB1]  }
0x2d: {  	s3 =	simm.s32 $0x108;
	s8 =	sld [smem:$0x3FB2]  }
0x2e: {  	s3 =	simm.s32 @!p0 $0x1082;
	s9 =	sld [smem:$0x3FB3]  }
0x2f: {  	lr =	sadd.s32 s0, s3;
	s0 =	sld [smem:$0x3FAA]  }
0x30: {  	s3 =	sld [smem:$0x3FAD]  }
0x31: {  	[smem:$0x3FB6] =	sst s10  }
0x32: {  	s10 =	sld [smem:$0x3FB4];
	_ =	sdelay $0x3  }
0x33: {  	p0 =	seq.s32 s10, $0x1;
	s10 =	sld [smem:$0x3FB6];
	_ =	sdelay $0x3  }
0x34: {  	[smem:$0x3FB6] =	sst s10  }
0x35: {  	s10 =	sld [smem:$0x3FB5];
	_ =	sdelay $0x3  }
0x36: {  	p1 =	seq.s32 s10, $0x1;
	s10 =	sld [smem:$0x3FB6];
	_ =	sdelay $0x3  }
0x37: {  	[smem:$0x3FB6] =	sst s10  }
0x38: {  	s10 =	sld [smem:$0x3FB7]  }
0x39: {  	_ = 	snop;
	(pc) =	sbr.ind lr, $3  }
0x3a: {  	_ = 	snop  }
0x3b: {  	_ = 	snop  }
0x3c: {  	p2 =	seq.s32 s10, $0x1;
	s10 =	sld [smem:$0x3FB6]  }
0x3d: {  	_ =	shalt  }
0x3e: {  	_ =	shalt  }
0x3f: {  	_ =	shalt  }
0x40: {  	_ =	shalt  }
0x41: {  	_ =	shalt  }
0x42: {  	_ =	shalt  }
0x43: {  	_ =	shalt  }
0x44: {  	_ =	shalt  }
0x45: {  	_ =	shalt  }
0x46: {  	_ =	shalt  }
0x47: {  	_ =	shalt  }
0x48: {  	_ =	shalt  }
0x49: {  	_ =	shalt  }
0x4a: {  	_ =	shalt  }
0x4b: {  	_ =	shalt  }
0x4c: {  	_ =	shalt  }
0x4d: {  	_ =	shalt  }
0x4e: {  	_ =	shalt  }
0x4f: {  	_ =	shalt  }
0x50: {  	_ =	shalt  }
0x51: {  	_ =	shalt  }
0x52: {  	_ =	shalt  }
0x53: {  	_ =	shalt  }
0x54: {  	_ =	shalt  }
0x55: {  	_ =	shalt  }
0x56: {  	_ =	shalt  }
0x57: {  	_ =	shalt  }
0x58: {  	_ =	shalt  }
0x59: {  	_ =	shalt  }
0x5a: {  	_ =	shalt  }
0x5b: {  	_ =	shalt  }
0x5c: {  	_ =	shalt  }
0x5d: {  	_ =	shalt  }
0x5e: {  	_ =	shalt  }
0x5f: {  	_ =	shalt  }
0x60: {  	_ =	shalt  }
0x61: {  	_ =	shalt  }
0x62: {  	_ =	shalt  }
0x63: {  	_ =	shalt  }
0x64: {  	_ =	shalt  }
0x65: {  	_ =	shalt  }
0x66: {  	_ =	shalt  }
0x67: {  	_ =	shalt  }
0x68: {  	_ =	shalt  }
0x69: {  	_ =	shalt  }
0x6a: {  	_ =	shalt  }
0x6b: {  	_ =	shalt  }
0x6c: {  	_ =	shalt  }
0x6d: {  	_ =	shalt  }
0x6e: {  	_ =	shalt  }
0x6f: {  	_ =	shalt  }
0x70: {  	_ =	shalt  }
0x71: {  	_ =	shalt  }
0x72: {  	_ =	shalt  }
0x73: {  	_ =	shalt  }
0x74: {  	_ =	shalt  }
0x75: {  	_ =	shalt  }
0x76: {  	_ =	shalt  }
0x77: {  	_ =	shalt  }
0x78: {  	_ =	shalt  }
0x79: {  	_ =	shalt  }
0x7a: {  	_ =	shalt  }
0x7b: {  	_ =	shalt  }
0x7c: {  	_ =	shalt  }
0x7d: {  	_ =	shalt  }
0x7e: {  	_ =	shalt  }
0x7f: {  	_ =	shalt  }
0x80: {  	_ =	shalt  }
0x81: {  	_ =	shalt  }
0x82: {  	_ =	shalt  }
0x83: {  	_ =	shalt  }
0x84: {  	_ =	shalt  }
0x85: {  	_ =	shalt  }
0x86: {  	_ =	shalt  }
0x87: {  	_ =	shalt  }
.Lfunc_end0:
.L_simem_size_0:
called_computation_lowered:
.L_overlay_start_0:
0x88: {  	s2 =	sld [smem:$0x3FD9]  }
0x89: {  	s3 =	sld [smem:$0x3FFE];
	_ =	sdelay $0x1  }
0x8a: {  	s1 =	srdreg.scid  }
0x8b: {  	s0 =	sand.u32 $0x1, s1  }
0x8c: {  	s18 =	sshll.u32 s0, $0xA;
	s2 =	sadd.s32 s3, s2  }
0x8d: {  	s2 =	sadd.s32 s2, s18  }
0x8e: {  	[smem:$0x3FC2] =	sst s2  }
0x8f: {  	_ = 	snop  }
0x90: {  	s2 =	sld [smem:$0x3FC9]  }
0x91: {  	s19 =	sld [smem:$0x3FC8]  }
0x92: {  	s4 =	sld [smem:$0x3FC7]  }
0x93: {  	s5 =	sld [smem:$0x3FC6]  }
0x94: {  	s6 =	sld [smem:$0x3FC5]  }
0x95: {  	s7 =	sld [smem:$0x3FC4]  }
0x96: {  	s8 =	sld [smem:$0x3FD0];
	(tm) =	ssettm $0x1  }
0x97: {  	s9 =	sld [smem:$0x3FFB];
	_ =	sdelay $0x3  }
0x98: {  	_ =	strace s9  }
0x99: {  	s9 =	sld [smem:$0x3FFC];
	_ =	sdelay $0x3  }
0x9a: {  	_ =	strace s9  }
0x9b: {  	s9 =	sld [smem:$0x3FFD];
	_ =	sdelay $0x3  }
0x9c: {  	_ =	strace s9  }
0x9d: {  	_ =	strace $0x8FFFFFFF  }
0x9e: {  	s20 =	sld [smem:$0x3FDB];
	_ =	sdelay $0x1  }
0x9f: {  	s10 =	simm.s32 $_scs_section_size  }
0xa0: {  	s11 =	simm.s32 $_size__tile_overlayer_lowered;
	s12 =	simm.s32 $_tile_overlayer_lowered  }
0xa1: {  	s23 =	simm.s32 $0x1BFF;
	s22 =	sshll.u32 s12, $0x1;
	s9 =	sadd.s32 s10, s20  }
0xa2: {  	s13 =	simm.s32 $0x0;
	s21 =	sshll.u32 s11, $0x1;
	s11 =	sadd.s32 s22, s9  }
0xa3: {  	[timem:s13], [sflag:s23] =	dma.local [hbm:s11], s21  }
0xa4: {  	_ =	swait.ge [sflag:s23], s21  }
0xa5: {  	s10 =	ssub.s32 $0x0, s21;
	[sflag:s23] =	ssyncset.done $0x0  }
0xa6: {  	[sflag:s23] =	ssyncadd.s32 s10;
	_ =	sdelay $0x1  }
0xa7: {  	s24 =	simm.s32 $0x1B8B  }
0xa8: {  	_ =	swait.ge [sflag:s24], $0x1  }
0xa9: {  	[sflag:s24] =	ssyncset.done $0x0  }
0xaa: {  	s25 =	simm.s32 $0x1B8E;
	[sflag:s24] =	ssyncadd.s32 $0xFFFFFFFF  }
0xab: {  	s26 =	simm.s32 $execute0_lowered;
	[smem:$0x3FD2] =	sst s25  }
0xac: {  	s10 =	sshll.u32 s26, $0x1;
	_ =	strace $0x80000046;
	[dreg:$0x1] =	wrdreg $0xFFFFFFFF  }
0xad: {  	s28 =	simm.s32 $_size_execute0_lowered;
	s9 =	sadd.s32 s9, s10;
	[dreg:$0x0] =	wrdreg $0x0  }
0xae: {  	s10 =	sshll.u32 s28, $0x1;
	[dreg:$0x2] =	wrdreg s9  }
0xaf: {  	[dreg:$0x3] =	wrdreg s10  }
0xb0: {  	[dreg:$0x4] =	wrdreg $0xC0  }
0xb1: {  	_ =	task [dreg:s13], $0x5FFFF  }
0xb2: {  	[dreg:$0x1] =	wrdreg $0xFFFFFFFF  }
0xb3: {  	[dreg:$0x0] =	wrdreg $0x60  }
0xb4: {  	[dreg:$0x2] =	wrdreg s2  }
0xb5: {  	[dreg:$0x3] =	wrdreg s19  }
0xb6: {  	[dreg:$0x4] =	wrdreg s4  }
0xb7: {  	[dreg:$0x5] =	wrdreg s5  }
0xb8: {  	[dreg:$0x6] =	wrdreg s6  }
0xb9: {  	[dreg:$0x7] =	wrdreg s7  }
0xba: {  	[dreg:$0x8] =	wrdreg s8  }
0xbb: {  	[dreg:$0x9] =	wrdreg $0x9  }
0xbc: {  	_ =	task.clear_ibuf [dreg:s13], $0xAFFFF;
	_ =	strace $0x90000046  }
0xbd: {  	s29 =	simm.s32 $0x9;
	_ =	strace $0x80000048  }
0xbe: {  	_ =	swait.ge [sflag:s29], $0x1  }
0xbf: {  	[sflag:s29] =	ssyncadd.s32 $0xFFFFFFFF  }
0xc0: {  	_ =	strace $0x90000048  }
0xc1: {  	_ =	sfence  }
0xc2: {  	s30 =	sld [smem:$0x0];
	_ =	sdelay $0x2  }
0xc3: {  	s31 =	sshll.u32 s1, $0xD;
	s1 =	sshrl.u32 s1, $0x2  }
0xc4: {  	s3 =	sand.u32 $0x4000, s31;
	s1 =	sadd.s32 s1, s30  }
0xc5: {  	s0 =	sor.u32 s3, s0;
	s1 =	sshll.u32 s1, $0x11  }
0xc6: {  	s0 =	sor.u32 s1, s0  }
0xc7: {  	s0 =	sadd.s32 $0x8F2B, s0  }
0xc8: {  	[sflag:s0] =	ssyncadd.remote.s32 $0x1  }
0xc9: {  	_ =	sfence.sel $0xFFFF  }
0xca: {  	[dreg:$0x0] =	wrdreg $0xFFFFFFFF;
	(pc) =	sbr.abs _section_cstart, $3  }
0xcb: {  	[dreg:$0x1] =	wrdreg $0xFFFFFFFF  }
0xcc: {  	_ =	task.clear_ibuf [dreg:s13], $0x2FFFF;
	_ =	strace $0x9FFFFFFF  }
0xcd: {  	(tm) =	ssettm $0x7FFFFFFF  }
tec
execute0_lowered:
.L_overlay_start_1:
0x0: {  	(tag) =	ssettag $0x1  }
0x1: {  	s6 =	rddreg [dreg:$0x0]  }
0x2: {  	s7 =	rddreg [dreg:$0x1]  }
0x3: {  	s8 =	rddreg [dreg:$0x2]  }
0x4: {  	s1 =	rddreg [dreg:$0x3]  }
0x5: {  	s2 =	rddreg [dreg:$0x4]  }
0x6: {  	s3 =	rddreg [dreg:$0x5]  }
0x7: {  	s9 =	rddreg [dreg:$0x6]  }
0x8: {  	s0 =	rddreg [dreg:$0x7];
	s5 =	simm.s32 $0x0;
	s10 =	srdreg.scid  }
0x9: {  	s4 =	stileid.u32;
	s14 =	simm.s32 $0x500;
	s15 =	simm.s32 $0x700  }
0xa: {  	s16 =	simm.s32 $0x1;
	s17 =	simm.s32 $0x900;
	s18 =	simm.s32 $0x2  }
0xb: {  	s19 =	simm.s32 $0x0;
	[smem:$0x7FF] =	sst s5;
	s10 =	sand.u32 $0x1, s10  }
0xc: {  	s12 =	sshll.u32 s4, $0x7;
	s11 =	ssub.s32 $0x2, s10;
	s10 =	sshll.u32 s10, $0x6  }
0xd: {  	_ =	strace $0x80000047;
	s13 =	sshrl.u32 s11, $0x1;
	s10 =	sor.u32 s10, s12  }
0xe: {  	s12 =	simm.s32 $0x200;
	s11 =	ssub.s32 s11, s13;
	s6 =	sadd.s32 s6, s10  }
0xf: {  	s7 =	sadd.s32 s7, s10;
	s8 =	sadd.s32 s8, s10;
	s9 =	sadd.s32 s9, s10  }
0x10: {  	s13 =	simm.s32 $0x300;
	s10 =	smax.u32 s11, $0x1;
	s11 =	simm.s32 $0x100  }
.LBB2_1:
0x11: {  	[tilespmem:s5], [sflag:$0x1] =	stream.linear.gather [hbm4b:s1+s5], $0x100, $0x38;
	[tilespmem:$0xB00] =	vst v63  }
0x12: {  	_ = 	snop  }
0x13: {  	[tilespmem:s11], [sflag:$0x1] =	stream.linear.gather [hbm4b:s2+s5], $0x100, $0x38;
	[tilespmem:$0xB00] =	vst v63  }
0x14: {  	_ = 	snop  }
0x15: {  	[tilespmem:s12], [sflag:$0x1] =	stream.linear.gather [hbm4b:s3+s5], $0x100, $0x38;
	[tilespmem:$0xB00] =	vst v63  }
0x16: {  	_ = 	snop  }
0x17: {  	[tilespmem:s13], [sflag:$0x1] =	stream.linear.gather [hbm4b:s6+s5], $0x200, $0x38;
	[tilespmem:$0xB00] =	vst v63  }
0x18: {  	_ = 	snop  }
0x19: {  	[tilespmem:s14], [sflag:$0x1] =	stream.linear.gather [hbm4b:s7+s5], $0x200, $0x38;
	[tilespmem:$0xB00] =	vst v63  }
0x1a: {  	_ = 	snop  }
0x1b: {  	[tilespmem:s15], [sflag:$0x1] =	stream.linear.gather [hbm4b:s8+s5], $0x200, $0x38;
	[tilespmem:$0xB00] =	vst v63  }
0x1c: {  	_ =	swait.ge [sflag:s16], $0x100  }
0x1d: {  	[sflag:s16] =	ssyncset.done $0x0  }
0x1e: {  	[sflag:s16] =	ssyncadd.s32 $0xFFFFFF00  }
0x1f: {  	_ =	swait.ge [sflag:s16], $0x100  }
0x20: {  	[sflag:s16] =	ssyncset.done $0x0  }
0x21: {  	[sflag:s16] =	ssyncadd.s32 $0xFFFFFF00  }
0x22: {  	_ =	swait.ge [sflag:s16], $0x100  }
0x23: {  	[sflag:s16] =	ssyncset.done $0x0  }
0x24: {  	[sflag:s16] =	ssyncadd.s32 $0xFFFFFF00  }
0x25: {  	_ =	swait.ge [sflag:s16], $0x200  }
0x26: {  	[sflag:s16] =	ssyncset.done $0x0  }
0x27: {  	[sflag:s16] =	ssyncadd.s32 $0xFFFFFE00  }
0x28: {  	_ =	swait.ge [sflag:s16], $0x200  }
0x29: {  	[sflag:s16] =	ssyncset.done $0x0  }
0x2a: {  	[sflag:s16] =	ssyncadd.s32 $0xFFFFFE00  }
0x2b: {  	s20 =	simm.s32 $0xFFFFFFFC;
	_ =	swait.ge [sflag:s16], $0x200  }
0x2c: {  	s21 =	simm.s32 $0x920;
	s22 =	simm.s32 $0x720;
	[sflag:s16] =	ssyncset.done $0x0  }
0x2d: {  	s23 =	simm.s32 $0x520;
	s24 =	simm.s32 $0x320;
	[sflag:s16] =	ssyncadd.s32 $0xFFFFFE00  }
.LBB2_2:
0x2e: {  	v0 =	vld [tilespmem:s24+$0xFFFFFFE0];
	_ =	sdelay $0x5  }
0x2f: {  	v3 =	vld [tilespmem:s23+$0xFFFFFFE0]  }
0x30: {  	v4 =	vld [tilespmem:s22+$0xFFFFFFE0]  }
0x31: {  	v2 =	vld.idx.msk [tilespmem:v0+s11+$0x0], $0xffff  }
0x32: {  	v1 =	vld.idx.msk [tilespmem:v0+s5+$0x0], $0xffff  }
0x33: {  	v0 =	vld.idx.msk [tilespmem:v0+s12+$0x0], $0xffff;
	_ =	sdelay $0x2  }
0x34: {  	v2 =	vmul.f32 v3, v2;
	_ =	sdelay $0x1  }
0x35: {  	v0 =	vmul.f32 v4, v0;
	v1 =	vadd.f32 v2, v1;
	_ =	sdelay $0x1  }
0x36: {  	v0 =	vadd.f32 v0, v1;
	_ =	sdelay $0x1  }
0x37: {  	[tilespmem:s21+$0xFFFFFFE0] =	vst v0  }
0x38: {  	v0 =	vld [tilespmem:s24+$0xFFFFFFF0];
	_ =	sdelay $0x5  }
0x39: {  	v54 =	vld [tilespmem:s23+$0xFFFFFFF0]  }
0x3a: {  	v55 =	vld [tilespmem:s22+$0xFFFFFFF0]  }
0x3b: {  	v53 =	vld.idx.msk [tilespmem:v0+s11+$0x0], $0xffff  }
0x3c: {  	v52 =	vld.idx.msk [tilespmem:v0+s5+$0x0], $0xffff  }
0x3d: {  	v0 =	vld.idx.msk [tilespmem:v0+s12+$0x0], $0xffff;
	_ =	sdelay $0x2  }
0x3e: {  	v2 =	vmul.f32 v54, v53;
	_ =	sdelay $0x1  }
0x3f: {  	v0 =	vmul.f32 v55, v0;
	v1 =	vadd.f32 v2, v52;
	_ =	sdelay $0x1  }
0x40: {  	v0 =	vadd.f32 v0, v1;
	_ =	sdelay $0x1  }
0x41: {  	[tilespmem:s21+$0xFFFFFFF0] =	vst v0  }
0x42: {  	v0 =	vld [tilespmem:s24+$0x0];
	_ =	sdelay $0x5  }
0x43: {  	v58 =	vld [tilespmem:s23+$0x0]  }
0x44: {  	v59 =	vld [tilespmem:s22+$0x0]  }
0x45: {  	v57 =	vld.idx.msk [tilespmem:v0+s11+$0x0], $0xffff  }
0x46: {  	v56 =	vld.idx.msk [tilespmem:v0+s5+$0x0], $0xffff  }
0x47: {  	v0 =	vld.idx.msk [tilespmem:v0+s12+$0x0], $0xffff;
	_ =	sdelay $0x2  }
0x48: {  	v2 =	vmul.f32 v58, v57;
	_ =	sdelay $0x1  }
0x49: {  	v0 =	vmul.f32 v59, v0;
	v1 =	vadd.f32 v2, v56;
	_ =	sdelay $0x1  }
0x4a: {  	v0 =	vadd.f32 v0, v1;
	_ =	sdelay $0x1  }
0x4b: {  	[tilespmem:s21+$0x0] =	vst v0  }
0x4c: {  	v0 =	vld [tilespmem:s24+$0x10];
	_ =	sdelay $0x5  }
0x4d: {  	v62 =	vld [tilespmem:s23+$0x10]  }
0x4e: {  	v63 =	vld [tilespmem:s22+$0x10]  }
0x4f: {  	v61 =	vld.idx.msk [tilespmem:v0+s11+$0x0], $0xffff  }
0x50: {  	v60 =	vld.idx.msk [tilespmem:v0+s5+$0x0], $0xffff  }
0x51: {  	v0 =	vld.idx.msk [tilespmem:v0+s12+$0x0], $0xffff;
	_ =	sdelay $0x2  }
0x52: {  	s20 =	sadd.s32 $0x4, s20;
	v2 =	vmul.f32 v62, v61  }
0x53: {  	p0 =	slt.u32 s20, $0x1C  }
.Ltmp0:
0x54: {  	v0 =	vmul.f32 v63, v0;
	v1 =	vadd.f32 v2, v60;
	(pc) =	sbr.rel @p0 .LBB2_2-.Ltmp0, $4  }
0x55: {  	_ = 	snop  }
0x56: {  	v0 =	vadd.f32 v0, v1  }
0x57: {  	s22 =	sadd.s32 $0x40, s22  }
0x58: {  	s23 =	sadd.s32 $0x40, s23;
	s24 =	sadd.s32 $0x40, s24;
	[tilespmem:s21+$0x10] =	vst v0;
	s21 =	sadd.s32 $0x40, s21  }
0x59: {  	s19 =	sadd.s32 $0x1, s19  }
0x5a: {  	p0 =	sne.s32 s19, s10  }
.Ltmp1:
0x5b: {  	_ = 	snop;
	(pc) =	sbr.rel @p0 .LBB2_1-.Ltmp1, $4  }
0x5c: {  	[hbm4b:s9+s5] =	stream.linear.scatter [tilespmem:s17], [sflag:$0x2], $0x200, $0x38;
	[tilespmem:$0xB00] =	vst v63  }
0x5d: {  	_ =	swait.ge [sflag:s18], $0x200  }
0x5e: {  	[sflag:s18] =	ssyncset.done $0x0  }
0x5f: {  	[sflag:s18] =	ssyncadd.s32 $0xFFFFFE00  }
0x60: {  	_ =	sfence.sel $0x180000  }
0x61: {  	[bflag:$0x0] =	sbarrier.arrive $0xFFFF  }
0x62: {  	p0 =	sne.s32 s4, $0x0;
	_ =	strace $0x90000047  }
0x63: {  	s0 =	sadd.s32 @!p0 $0x100000, s0;
	[bflag:$0x2] =	sbarrier.arrive $0xFFFF  }
0x64: {  	[sflag:s0] =	ssyncadd.tile.s32 @!p0 $0x1;
	_ =	shalt  }
.Lfunc_end2:
_tile_overlayer_lowered:
.L_overlay_start_2:
0x65: {  	(tag) =	ssettag $0x2  }
0x66: {  	s0 =	rddreg [dreg:$0x0];
	s2 =	stileid.u32  }
0x67: {  	s1 =	rddreg [dreg:$0x1];
	p0 =	sne.s32 s2, $0x0  }
0x68: {  	s3 =	rddreg [dreg:$0x2];
	[bflag:$0x3] =	sbarrier.arrive $0xFFFF;
	s2 =	simm.s32 @!p0 $0x1C02  }
0x69: {  	[timem:s3], [sflag:s2] =	dma.local @!p0 [hbm:s0], s1  }
0x6a: {  	s0 =	simm.s32 @!p0 $0x2  }
0x6b: {  	_ =	swait.ge @!p0 [sflag:s0], s1  }
0x6c: {  	s1 =	ssub.s32 @!p0 $0x0, s1;
	[sflag:s0] =	ssyncset.done @!p0 $0x0  }
0x6d: {  	[sflag:s0] =	ssyncadd.s32 @!p0 s1  }
0x6e: {  	[bflag:$0x3] =	sbarrier.arrive $0xFFFF  }
0x6f: {  	_ =	shalt  }

</sc_bundles>
